<compile_context>
chip_gen: v7x
topology: tpu7x:2x2x1
jax: 0.10.2.dev20260603
libtpu: 0.0.44.dev20260713+nightly
codegen_flags: <defaults>
</compile_context>

<pallas_src>
import functools

import jax
import jax.numpy as jnp
from jax import lax
from jax.experimental import pallas as pl
from jax.experimental.pallas import tpu as pltpu
from jax.experimental.pallas import tpu_sc as plsc

N = 100000
D = 128
NC = 2
NS = 16
NW = NC * NS
NSEEDS = 15000
SPW = 512
SEEDS_PAD = NW * SPW
CHUNK = 128
NCHUNK = SPW // CHUNK

_BLK = 5000


def _copy_body(emb_ref, out_ref):
    out_ref[...] = emb_ref[...]


def _tc_copy(embeds):
    return pl.pallas_call(
        _copy_body,
        grid=(N // _BLK,),
        in_specs=[pl.BlockSpec((_BLK, D), lambda i: (i, 0))],
        out_specs=pl.BlockSpec((_BLK, D), lambda i: (i, 0)),
        out_shape=jax.ShapeDtypeStruct((N, D), jnp.float32),
    )(embeds)


_mesh = plsc.VectorSubcoreMesh(core_axis_name="c", subcore_axis_name="s")


@functools.partial(
    pl.kernel,
    mesh=_mesh,
    out_type=(),
    scratch_types=[
        pltpu.VMEM((NCHUNK, CHUNK), jnp.int32),
        pltpu.VMEM((CHUNK, D), jnp.float32),
        pltpu.SemaphoreType.DMA,
    ],
)
def _scatter_kernel(out_ref, tok_hbm, seeds_hbm, idx_v, tok_v, sem):
    wid = lax.axis_index("s") * NC + lax.axis_index("c")

    pltpu.sync_copy(seeds_hbm.at[wid], idx_v)

    pltpu.sync_copy(tok_hbm, tok_v)

    copies = [
        pltpu.async_copy(tok_v, out_ref.at[idx_v.at[j]], sem)
        for j in range(NCHUNK)
    ]
    for c in copies:
        c.wait()


RPW = N // NW


@functools.partial(
    pl.kernel,
    mesh=_mesh,
    out_type=jax.ShapeDtypeStruct((NW, RPW, D), jnp.float32),
)
def _sc_copy_probe(emb_hbm, out_hbm):
    wid = lax.axis_index("s") * NC + lax.axis_index("c")
    pltpu.sync_copy(emb_hbm.at[wid], out_hbm.at[wid])


def kernel(embeds, mask_token, seeds):
    seeds_pad = jnp.concatenate(
        [seeds, seeds[: SEEDS_PAD - NSEEDS]]
    ).reshape(NW, NCHUNK, CHUNK)
    tok_rep = jnp.broadcast_to(mask_token, (CHUNK, D))
    out = _tc_copy(embeds)
    out_ref = jax.new_ref(out)
    _scatter_kernel(out_ref, tok_rep, seeds_pad)
    return (out_ref[...], seeds)

# --- scband reference (transcript-rebuilt; emitter-appended) ---
"""Pipeline reference for scband-node-mask-4355096839075 (READ-ONLY COPY).

The authoritative reference and input builder live on the scoring server;
editing this copy changes nothing except your own understanding.
"""

import jax, jax.numpy as jnp
import numpy as np

N = 100000
D = 128
MASK_RATIO = 0.15


def setup_inputs(seed: int = 0) -> dict:
    key = jax.random.key(seed)
    k1, k2 = jax.random.split(key)
    embeds = jax.random.normal(k1, (N, D), dtype=jnp.float32)
    # learned parameter (nn.Parameter initialized to zeros in the torch module)
    mask_token = jnp.zeros((1, D), dtype=jnp.float32)
    # deterministic stand-in for np.random.choice(N, size=int(N*mask_ratio), replace=False)
    n_mask = max(int(N * MASK_RATIO), 1)
    seeds = jax.random.permutation(k2, N)[:n_mask].astype(jnp.int32)
    return {"embeds": embeds, "mask_token": mask_token, "seeds": seeds}


def reference(embeds, mask_token, seeds):
    # mask = ones(N); mask[seeds] = 0  -> scatter-overwrite
    mask = jnp.ones((embeds.shape[0],), dtype=embeds.dtype).at[seeds].set(0.0)
    mask = mask.reshape(-1, 1)
    masked_embeds = embeds * mask + mask_token * (1.0 - mask)
    return (masked_embeds, seeds)

if __name__ == "__main__":
    import jax
    _d = setup_inputs()
    print(jax.jit(kernel)(*tuple(_d.values())))

</pallas_src>

<mosaic_0001>
#map = affine_map<(d0, d1) -> (0, 0)>
#map1 = affine_map<(d0, d1) -> (0, 0, 0)>
module attributes {stable_mosaic.version = 14 : i64} {
  func.func @new_body(%arg0: i32, %arg1: i32, %arg2: memref<100000x128xf32, #tpu.memory_space<hbm>>, %arg3: memref<128x128xf32, #tpu.memory_space<hbm>>, %arg4: memref<32x4x128xi32, #tpu.memory_space<hbm>>, %arg5: memref<100000x128xf32, #tpu.memory_space<hbm>>, %arg6: memref<4x128xi32, #tpu.memory_space<vmem>>, %arg7: memref<128x128xf32, #tpu.memory_space<vmem>>, %arg8: memref<!tpu.dma_semaphore, #tpu.memory_space<semaphore_mem>>) attributes {dimension_semantics = [#tpu.dimension_semantics<core_parallel>, #tpu.dimension_semantics<subcore_parallel>], iteration_bounds = array<i64: 2, 16>, scalar_prefetch = 0 : i64, scratch_operands = 3 : i64, tpu.core_type = #tpu.core_type<sc_vector_subcore>, window_params = [{transform_indices = #map}, {transform_indices = #map}, {transform_indices = #map1}, {transform_indices = #map}]} {
    %mul3A = arith.constant 2 : i32
    %mul3A_0 = arith.muli %arg1, %mul3A : i32
    %add3A = arith.addi %mul3A_0, %arg0 : i32
    "tpu.region"() ({
      %run_scoped3A = tpu.sem_alloc : memref<!tpu.dma_semaphore, #tpu.memory_space<semaphore_mem>>
      %dma_start3A_55 = arith.constant 0 : i32
      %dma_start3A_56 = arith.constant 0 : i32
      %dma_start3A_57 = tpu.memref_slice %arg4[%add3A, %dma_start3A_55, %dma_start3A_56] : memref<32x4x128xi32, #tpu.memory_space<hbm>> -> memref<1x4x128xi32, #tpu.memory_space<hbm>>
      %dma_start3A_58 = tpu.memref_squeeze %dma_start3A_57 : memref<1x4x128xi32, #tpu.memory_space<hbm>> -> memref<4x128xi32, #tpu.memory_space<hbm>>
      %dma_start3A_59 = arith.constant 0 : i32
      %dma_start3A_60 = arith.constant 0 : i32
      %dma_start3A_61 = tpu.memref_slice %arg4[%add3A, %dma_start3A_59, %dma_start3A_60] : memref<32x4x128xi32, #tpu.memory_space<hbm>> -> memref<1x4x128xi32, #tpu.memory_space<hbm>>
      %dma_start3A_62 = tpu.memref_squeeze %dma_start3A_61 : memref<1x4x128xi32, #tpu.memory_space<hbm>> -> memref<4x128xi32, #tpu.memory_space<hbm>>
      tpu.enqueue_dma source(%dma_start3A_62 : memref<4x128xi32, #tpu.memory_space<hbm>>) target(%arg6 : memref<4x128xi32, #tpu.memory_space<vmem>>) target_semaphore(%run_scoped3A : memref<!tpu.dma_semaphore, #tpu.memory_space<semaphore_mem>>)
      %dma_wait3A_63 = arith.constant 0 : i32
      %dma_wait3A_64 = arith.constant 0 : i32
      %dma_wait3A_65 = tpu.memref_slice %arg4[%add3A, %dma_wait3A_63, %dma_wait3A_64] : memref<32x4x128xi32, #tpu.memory_space<hbm>> -> memref<1x4x128xi32, #tpu.memory_space<hbm>>
      %dma_wait3A_66 = tpu.memref_squeeze %dma_wait3A_65 : memref<1x4x128xi32, #tpu.memory_space<hbm>> -> memref<4x128xi32, #tpu.memory_space<hbm>>
      %dma_wait3A_67 = arith.constant 0 : i32
      %dma_wait3A_68 = arith.constant 0 : i32
      %dma_wait3A_69 = tpu.memref_slice %arg4[%add3A, %dma_wait3A_67, %dma_wait3A_68] : memref<32x4x128xi32, #tpu.memory_space<hbm>> -> memref<1x4x128xi32, #tpu.memory_space<hbm>>
      %dma_wait3A_70 = tpu.memref_squeeze %dma_wait3A_69 : memref<1x4x128xi32, #tpu.memory_space<hbm>> -> memref<4x128xi32, #tpu.memory_space<hbm>>
      tpu.wait_dma2 semaphore(%run_scoped3A : memref<!tpu.dma_semaphore, #tpu.memory_space<semaphore_mem>>) src(%dma_wait3A_70 : memref<4x128xi32, #tpu.memory_space<hbm>>) dst(%arg6 : memref<4x128xi32, #tpu.memory_space<vmem>>)
      tpu.yield
    }) : () -> ()
    "tpu.region"() ({
      %run_scoped3A = tpu.sem_alloc : memref<!tpu.dma_semaphore, #tpu.memory_space<semaphore_mem>>
      tpu.enqueue_dma source(%arg3 : memref<128x128xf32, #tpu.memory_space<hbm>>) target(%arg7 : memref<128x128xf32, #tpu.memory_space<vmem>>) target_semaphore(%run_scoped3A : memref<!tpu.dma_semaphore, #tpu.memory_space<semaphore_mem>>)
      tpu.wait_dma2 semaphore(%run_scoped3A : memref<!tpu.dma_semaphore, #tpu.memory_space<semaphore_mem>>) src(%arg3 : memref<128x128xf32, #tpu.memory_space<hbm>>) dst(%arg7 : memref<128x128xf32, #tpu.memory_space<vmem>>)
      tpu.yield
    }) : () -> ()
    %dma_start3A = arith.constant 0 : i32
    %dma_start3A_1 = arith.constant 0 : i32
    %dma_start3A_2 = tpu.memref_slice %arg6[%dma_start3A, %dma_start3A_1] : memref<4x128xi32, #tpu.memory_space<vmem>> -> memref<1x128xi32, #tpu.memory_space<vmem>>
    %dma_start3A_3 = tpu.memref_squeeze %dma_start3A_2 : memref<1x128xi32, #tpu.memory_space<vmem>> -> memref<128xi32, #tpu.memory_space<vmem>>
    %dma_start3A_4 = arith.constant 0 : i32
    %dma_start3A_5 = arith.constant 0 : i32
    %dma_start3A_6 = tpu.memref_slice %arg2[%dma_start3A_4, %dma_start3A_5] : memref<100000x128xf32, #tpu.memory_space<hbm>> -> memref<100000x128xf32, #tpu.memory_space<hbm>>
    tpu.enqueue_indirect_dma source(%arg7 : memref<128x128xf32, #tpu.memory_space<vmem>>) target(%dma_start3A_6 : memref<100000x128xf32, #tpu.memory_space<hbm>>) offsets(%dma_start3A_3 : memref<128xi32, #tpu.memory_space<vmem>>) semaphore(%arg8 : memref<!tpu.dma_semaphore, #tpu.memory_space<semaphore_mem>>)
    %dma_start3A_7 = arith.constant 1 : i32
    %dma_start3A_8 = arith.constant 0 : i32
    %dma_start3A_9 = tpu.memref_slice %arg6[%dma_start3A_7, %dma_start3A_8] : memref<4x128xi32, #tpu.memory_space<vmem>> -> memref<1x128xi32, #tpu.memory_space<vmem>>
    %dma_start3A_10 = tpu.memref_squeeze %dma_start3A_9 : memref<1x128xi32, #tpu.memory_space<vmem>> -> memref<128xi32, #tpu.memory_space<vmem>>
    %dma_start3A_11 = arith.constant 0 : i32
    %dma_start3A_12 = arith.constant 0 : i32
    %dma_start3A_13 = tpu.memref_slice %arg2[%dma_start3A_11, %dma_start3A_12] : memref<100000x128xf32, #tpu.memory_space<hbm>> -> memref<100000x128xf32, #tpu.memory_space<hbm>>
    tpu.enqueue_indirect_dma source(%arg7 : memref<128x128xf32, #tpu.memory_space<vmem>>) target(%dma_start3A_13 : memref<100000x128xf32, #tpu.memory_space<hbm>>) offsets(%dma_start3A_10 : memref<128xi32, #tpu.memory_space<vmem>>) semaphore(%arg8 : memref<!tpu.dma_semaphore, #tpu.memory_space<semaphore_mem>>)
    %dma_start3A_14 = arith.constant 2 : i32
    %dma_start3A_15 = arith.constant 0 : i32
    %dma_start3A_16 = tpu.memref_slice %arg6[%dma_start3A_14, %dma_start3A_15] : memref<4x128xi32, #tpu.memory_space<vmem>> -> memref<1x128xi32, #tpu.memory_space<vmem>>
    %dma_start3A_17 = tpu.memref_squeeze %dma_start3A_16 : memref<1x128xi32, #tpu.memory_space<vmem>> -> memref<128xi32, #tpu.memory_space<vmem>>
    %dma_start3A_18 = arith.constant 0 : i32
    %dma_start3A_19 = arith.constant 0 : i32
    %dma_start3A_20 = tpu.memref_slice %arg2[%dma_start3A_18, %dma_start3A_19] : memref<100000x128xf32, #tpu.memory_space<hbm>> -> memref<100000x128xf32, #tpu.memory_space<hbm>>
    tpu.enqueue_indirect_dma source(%arg7 : memref<128x128xf32, #tpu.memory_space<vmem>>) target(%dma_start3A_20 : memref<100000x128xf32, #tpu.memory_space<hbm>>) offsets(%dma_start3A_17 : memref<128xi32, #tpu.memory_space<vmem>>) semaphore(%arg8 : memref<!tpu.dma_semaphore, #tpu.memory_space<semaphore_mem>>)
    %dma_start3A_21 = arith.constant 3 : i32
    %dma_start3A_22 = arith.constant 0 : i32
    %dma_start3A_23 = tpu.memref_slice %arg6[%dma_start3A_21, %dma_start3A_22] : memref<4x128xi32, #tpu.memory_space<vmem>> -> memref<1x128xi32, #tpu.memory_space<vmem>>
    %dma_start3A_24 = tpu.memref_squeeze %dma_start3A_23 : memref<1x128xi32, #tpu.memory_space<vmem>> -> memref<128xi32, #tpu.memory_space<vmem>>
    %dma_start3A_25 = arith.constant 0 : i32
    %dma_start3A_26 = arith.constant 0 : i32
    %dma_start3A_27 = tpu.memref_slice %arg2[%dma_start3A_25, %dma_start3A_26] : memref<100000x128xf32, #tpu.memory_space<hbm>> -> memref<100000x128xf32, #tpu.memory_space<hbm>>
    tpu.enqueue_indirect_dma source(%arg7 : memref<128x128xf32, #tpu.memory_space<vmem>>) target(%dma_start3A_27 : memref<100000x128xf32, #tpu.memory_space<hbm>>) offsets(%dma_start3A_24 : memref<128xi32, #tpu.memory_space<vmem>>) semaphore(%arg8 : memref<!tpu.dma_semaphore, #tpu.memory_space<semaphore_mem>>)
    %dma_wait3A = arith.constant 0 : i32
    %dma_wait3A_28 = arith.constant 0 : i32
    %dma_wait3A_29 = tpu.memref_slice %arg6[%dma_wait3A, %dma_wait3A_28] : memref<4x128xi32, #tpu.memory_space<vmem>> -> memref<1x128xi32, #tpu.memory_space<vmem>>
    %dma_wait3A_30 = tpu.memref_squeeze %dma_wait3A_29 : memref<1x128xi32, #tpu.memory_space<vmem>> -> memref<128xi32, #tpu.memory_space<vmem>>
    %dma_wait3A_31 = arith.constant 0 : i32
    %dma_wait3A_32 = arith.constant 0 : i32
    %dma_wait3A_33 = tpu.memref_slice %arg2[%dma_wait3A_31, %dma_wait3A_32] : memref<100000x128xf32, #tpu.memory_space<hbm>> -> memref<100000x128xf32, #tpu.memory_space<hbm>>
    tpu.wait_indirect_dma semaphore(%arg8 : memref<!tpu.dma_semaphore, #tpu.memory_space<semaphore_mem>>) src(%arg7 : memref<128x128xf32, #tpu.memory_space<vmem>>) dst(%dma_wait3A_33 : memref<100000x128xf32, #tpu.memory_space<hbm>>)
    %dma_wait3A_34 = arith.constant 1 : i32
    %dma_wait3A_35 = arith.constant 0 : i32
    %dma_wait3A_36 = tpu.memref_slice %arg6[%dma_wait3A_34, %dma_wait3A_35] : memref<4x128xi32, #tpu.memory_space<vmem>> -> memref<1x128xi32, #tpu.memory_space<vmem>>
    %dma_wait3A_37 = tpu.memref_squeeze %dma_wait3A_36 : memref<1x128xi32, #tpu.memory_space<vmem>> -> memref<128xi32, #tpu.memory_space<vmem>>
    %dma_wait3A_38 = arith.constant 0 : i32
    %dma_wait3A_39 = arith.constant 0 : i32
    %dma_wait3A_40 = tpu.memref_slice %arg2[%dma_wait3A_38, %dma_wait3A_39] : memref<100000x128xf32, #tpu.memory_space<hbm>> -> memref<100000x128xf32, #tpu.memory_space<hbm>>
    tpu.wait_indirect_dma semaphore(%arg8 : memref<!tpu.dma_semaphore, #tpu.memory_space<semaphore_mem>>) src(%arg7 : memref<128x128xf32, #tpu.memory_space<vmem>>) dst(%dma_wait3A_40 : memref<100000x128xf32, #tpu.memory_space<hbm>>)
    %dma_wait3A_41 = arith.constant 2 : i32
    %dma_wait3A_42 = arith.constant 0 : i32
    %dma_wait3A_43 = tpu.memref_slice %arg6[%dma_wait3A_41, %dma_wait3A_42] : memref<4x128xi32, #tpu.memory_space<vmem>> -> memref<1x128xi32, #tpu.memory_space<vmem>>
    %dma_wait3A_44 = tpu.memref_squeeze %dma_wait3A_43 : memref<1x128xi32, #tpu.memory_space<vmem>> -> memref<128xi32, #tpu.memory_space<vmem>>
    %dma_wait3A_45 = arith.constant 0 : i32
    %dma_wait3A_46 = arith.constant 0 : i32
    %dma_wait3A_47 = tpu.memref_slice %arg2[%dma_wait3A_45, %dma_wait3A_46] : memref<100000x128xf32, #tpu.memory_space<hbm>> -> memref<100000x128xf32, #tpu.memory_space<hbm>>
    tpu.wait_indirect_dma semaphore(%arg8 : memref<!tpu.dma_semaphore, #tpu.memory_space<semaphore_mem>>) src(%arg7 : memref<128x128xf32, #tpu.memory_space<vmem>>) dst(%dma_wait3A_47 : memref<100000x128xf32, #tpu.memory_space<hbm>>)
    %dma_wait3A_48 = arith.constant 3 : i32
    %dma_wait3A_49 = arith.constant 0 : i32
    %dma_wait3A_50 = tpu.memref_slice %arg6[%dma_wait3A_48, %dma_wait3A_49] : memref<4x128xi32, #tpu.memory_space<vmem>> -> memref<1x128xi32, #tpu.memory_space<vmem>>
    %dma_wait3A_51 = tpu.memref_squeeze %dma_wait3A_50 : memref<1x128xi32, #tpu.memory_space<vmem>> -> memref<128xi32, #tpu.memory_space<vmem>>
    %dma_wait3A_52 = arith.constant 0 : i32
    %dma_wait3A_53 = arith.constant 0 : i32
    %dma_wait3A_54 = tpu.memref_slice %arg2[%dma_wait3A_52, %dma_wait3A_53] : memref<100000x128xf32, #tpu.memory_space<hbm>> -> memref<100000x128xf32, #tpu.memory_space<hbm>>
    tpu.wait_indirect_dma semaphore(%arg8 : memref<!tpu.dma_semaphore, #tpu.memory_space<semaphore_mem>>) src(%arg7 : memref<128x128xf32, #tpu.memory_space<vmem>>) dst(%dma_wait3A_54 : memref<100000x128xf32, #tpu.memory_space<hbm>>)
    return
  }
}

module attributes {stable_mosaic.version = 14 : i64} {
  func.func @_copy_body(%arg0: i32, %arg1: memref<5000x128xf32, #tpu.memory_space<vmem>>, %arg2: memref<5000x128xf32, #tpu.memory_space<vmem>>) attributes {dimension_semantics = [#tpu.dimension_semantics<arbitrary>], iteration_bounds = array<i64: 20>, scalar_prefetch = 0 : i64, scratch_operands = 0 : i64, tpu.core_type = #tpu.core_type<tc>, window_params = [{transform_indices = @transform_0, window_bounds = array<i64: 5000, 128>}, {transform_indices = @transform_1, window_bounds = array<i64: 5000, 128>}]} {
    %get3A = arith.constant 0 : index
    %get3A_0 = arith.constant 0 : index
    %get3A_1 = vector.load %arg1[%get3A, %get3A_0] : memref<5000x128xf32, #tpu.memory_space<vmem>>, vector<5000x128xf32>
    %swap3A = arith.constant 0 : index
    %swap3A_2 = arith.constant 0 : index
    %swap3A_3 = vector.load %arg2[%swap3A, %swap3A_2] : memref<5000x128xf32, #tpu.memory_space<vmem>>, vector<5000x128xf32>
    tpu.vector_store %arg2[%swap3A, %swap3A_2], %get3A_1 {strides = array<i32>} : memref<5000x128xf32, #tpu.memory_space<vmem>>, vector<5000x128xf32>,
    return
  }
  func.func @transform_0(%arg0: i32) -> (i32, i32) {
    %c0_i32 = arith.constant 0 : i32
    %c0_i32_0 = arith.constant 0 : i32
    return %arg0, %c0_i32 : i32, i32
  }
  func.func @transform_1(%arg0: i32) -> (i32, i32) {
    %c0_i32 = arith.constant 0 : i32
    %c0_i32_0 = arith.constant 0 : i32
    return %arg0, %c0_i32 : i32, i32
  }
}

</mosaic_0001>

<sc_bundles>
// kernel: kernel.4.cloned.1.call-start
scs
__scs_entry_jumppad:
0x0: {  	(pc) =	sbr.rel $0x88, $3  }
0x1: {  	(tag) =	ssettag $0x0;
	lr =	simm.s32 $0x1  }
0x2: {  	[smem:$0x3F9E] =	sst lr;
	_ =	strace $0xD0000000  }
0x3: {  	_ = 	snop  }
0x4: {  	_ = 	snop  }
0x5: {  	_ = 	snop  }
0x6: {  	_ = 	snop  }
0x7: {  	_ = 	snop  }
__scs_overlays_trampoline_lowered:
0x8: {  	[smem:$0x3FAD] =	sst s0  }
0x9: {  	[smem:$0x3FAE] =	sst s1  }
0xa: {  	[smem:$0x3FAF] =	sst s2  }
0xb: {  	[smem:$0x3FB0] =	sst s3  }
0xc: {  	[smem:$0x3FB1] =	sst s4  }
0xd: {  	[smem:$0x3FB2] =	sst s5  }
0xe: {  	[smem:$0x3FB3] =	sst s6  }
0xf: {  	[smem:$0x3FB4] =	sst s7  }
0x10: {  	[smem:$0x3FB5] =	sst s8  }
0x11: {  	[smem:$0x3FB6] =	sst s9;
	s0 =	simm.s32 @!p0 $0x0  }
0x12: {  	s1 =	sld [smem:$0x3F9C];
	s0 =	simm.s32 @p0 $0x1  }
0x13: {  	[smem:$0x3FB7] =	sst s0;
	s0 =	simm.s32 @!p1 $0x0  }
0x14: {  	s2 =	sld [smem:$0x3F9B];
	s0 =	simm.s32 @p1 $0x1  }
0x15: {  	[smem:$0x3FB8] =	sst s0;
	s0 =	simm.s32 @!p2 $0x0  }
0x16: {  	s3 =	sld [smem:$0x3FDB];
	s0 =	simm.s32 @p2 $0x1  }
0x17: {  	s4 =	simm.s32 $0x1BF5;
	[smem:$0x3FBA] =	sst s0  }
0x18: {  	s0 =	sld [smem:$0x3F9D];
	_ =	swait.ge [sflag:s4], $0x0  }
0x19: {  	s7 =	sld [smem:$0x3F9E]  }
0x1a: {  	s8 =	sadd.s32 $0xFFFFE003, lr  }
0x1b: {  	s9 =	sadd.s32 $0xFFFFFEF7, lr;
	s5 =	simm.s32 $0xFFFFFFFF;
	p2 =	slt.u32 s8, $0xFFFFF086  }
0x1c: {  	p1 =	slt.u32 s9, $0xF7A;
	s5 =	simm.s32 @!p2 $0x0  }
0x1d: {  	s5 =	simm.s32 @p1 $0x1;
	p0 =	seq.s32 s7, s2  }
0x1e: {  	s7 =	smul.u32 @!p0 $0xF7A, s2;
	p2 =	seq.s32 @!p0 s5, $0x0  }
0x1f: {  	s9 =	smul.u32 $0xF7A, s1;
	s8 =	simm.s32 @!p0 $0x1BF5;
	p2 =	por !p2, p0  }
0x20: {  	[sflag:s8] =	ssyncset.s32 @!p0 $0xFFFFF086;
	s6 =	sadd.s32 @!p0 s3, s7;
	s7 =	simm.s32 @!p0 $0x108  }
0x21: {  	s3 =	sadd.s32 s3, s9;
	s6 =	sadd.s32 @!p0 $0x88, s6;
	s7 =	simm.s32 @p2 $0x1082  }
0x22: {  	[simem:s7], [sflag:s8] =	dma.local @!p0 [hbm:s6], $0xF7A  }
0x23: {  	s9 =	sor.u32 $0xD0000000, s2;
	s6 =	simm.s32 $0x108;
	_ =	swait.ge @!p0 [sflag:s8], $0x0  }
0x24: {  	s3 =	sadd.s32 $0x88, s3;
	s6 =	simm.s32 @!p1 $0x1082;
	[sflag:s4] =	ssyncset.s32 $0xFFFFF086  }
0x25: {  	[simem:s6], [sflag:s4] =	dma.local [hbm:s3], $0xF7A  }
0x26: {  	[smem:$0x3F9E] =	sst s1;
	(tag) =	ssettag s2;
	_ =	strace s9  }
0x27: {  	s1 =	sld [smem:$0x3FAE]  }
0x28: {  	s2 =	sld [smem:$0x3FAF]  }
0x29: {  	s4 =	sld [smem:$0x3FB1]  }
0x2a: {  	p0 =	seq.s32 s5, $0x0;
	s5 =	sld [smem:$0x3FB2]  }
0x2b: {  	s6 =	sld [smem:$0x3FB3]  }
0x2c: {  	s7 =	sld [smem:$0x3FB4]  }
0x2d: {  	s3 =	simm.s32 $0x108;
	s8 =	sld [smem:$0x3FB5]  }
0x2e: {  	s3 =	simm.s32 @!p0 $0x1082;
	s9 =	sld [smem:$0x3FB6]  }
0x2f: {  	lr =	sadd.s32 s0, s3;
	s0 =	sld [smem:$0x3FAD]  }
0x30: {  	s3 =	sld [smem:$0x3FB0]  }
0x31: {  	[smem:$0x3FB9] =	sst s10  }
0x32: {  	s10 =	sld [smem:$0x3FB7];
	_ =	sdelay $0x3  }
0x33: {  	p0 =	seq.s32 s10, $0x1;
	s10 =	sld [smem:$0x3FB9];
	_ =	sdelay $0x3  }
0x34: {  	[smem:$0x3FB9] =	sst s10  }
0x35: {  	s10 =	sld [smem:$0x3FB8];
	_ =	sdelay $0x3  }
0x36: {  	p1 =	seq.s32 s10, $0x1;
	s10 =	sld [smem:$0x3FB9];
	_ =	sdelay $0x3  }
0x37: {  	[smem:$0x3FB9] =	sst s10  }
0x38: {  	s10 =	sld [smem:$0x3FBA]  }
0x39: {  	_ = 	snop;
	(pc) =	sbr.ind lr, $3  }
0x3a: {  	_ = 	snop  }
0x3b: {  	_ = 	snop  }
0x3c: {  	p2 =	seq.s32 s10, $0x1;
	s10 =	sld [smem:$0x3FB9]  }
0x3d: {  	_ =	shalt  }
0x3e: {  	_ =	shalt  }
0x3f: {  	_ =	shalt  }
0x40: {  	_ =	shalt  }
0x41: {  	_ =	shalt  }
0x42: {  	_ =	shalt  }
0x43: {  	_ =	shalt  }
0x44: {  	_ =	shalt  }
0x45: {  	_ =	shalt  }
0x46: {  	_ =	shalt  }
0x47: {  	_ =	shalt  }
0x48: {  	_ =	shalt  }
0x49: {  	_ =	shalt  }
0x4a: {  	_ =	shalt  }
0x4b: {  	_ =	shalt  }
0x4c: {  	_ =	shalt  }
0x4d: {  	_ =	shalt  }
0x4e: {  	_ =	shalt  }
0x4f: {  	_ =	shalt  }
0x50: {  	_ =	shalt  }
0x51: {  	_ =	shalt  }
0x52: {  	_ =	shalt  }
0x53: {  	_ =	shalt  }
0x54: {  	_ =	shalt  }
0x55: {  	_ =	shalt  }
0x56: {  	_ =	shalt  }
0x57: {  	_ =	shalt  }
0x58: {  	_ =	shalt  }
0x59: {  	_ =	shalt  }
0x5a: {  	_ =	shalt  }
0x5b: {  	_ =	shalt  }
0x5c: {  	_ =	shalt  }
0x5d: {  	_ =	shalt  }
0x5e: {  	_ =	shalt  }
0x5f: {  	_ =	shalt  }
0x60: {  	_ =	shalt  }
0x61: {  	_ =	shalt  }
0x62: {  	_ =	shalt  }
0x63: {  	_ =	shalt  }
0x64: {  	_ =	shalt  }
0x65: {  	_ =	shalt  }
0x66: {  	_ =	shalt  }
0x67: {  	_ =	shalt  }
0x68: {  	_ =	shalt  }
0x69: {  	_ =	shalt  }
0x6a: {  	_ =	shalt  }
0x6b: {  	_ =	shalt  }
0x6c: {  	_ =	shalt  }
0x6d: {  	_ =	shalt  }
0x6e: {  	_ =	shalt  }
0x6f: {  	_ =	shalt  }
0x70: {  	_ =	shalt  }
0x71: {  	_ =	shalt  }
0x72: {  	_ =	shalt  }
0x73: {  	_ =	shalt  }
0x74: {  	_ =	shalt  }
0x75: {  	_ =	shalt  }
0x76: {  	_ =	shalt  }
0x77: {  	_ =	shalt  }
0x78: {  	_ =	shalt  }
0x79: {  	_ =	shalt  }
0x7a: {  	_ =	shalt  }
0x7b: {  	_ =	shalt  }
0x7c: {  	_ =	shalt  }
0x7d: {  	_ =	shalt  }
0x7e: {  	_ =	shalt  }
0x7f: {  	_ =	shalt  }
0x80: {  	_ =	shalt  }
0x81: {  	_ =	shalt  }
0x82: {  	_ =	shalt  }
0x83: {  	_ =	shalt  }
0x84: {  	_ =	shalt  }
0x85: {  	_ =	shalt  }
0x86: {  	_ =	shalt  }
0x87: {  	_ =	shalt  }
.Lfunc_end0:
.L_simem_size_0:
called_computation_lowered:
.L_overlay_start_0:
0x88: {  	s2 =	sld [smem:$0x3FD9]  }
0x89: {  	s3 =	sld [smem:$0x3FFE];
	_ =	sdelay $0x1  }
0x8a: {  	s1 =	srdreg.scid  }
0x8b: {  	s0 =	sand.u32 $0x1, s1  }
0x8c: {  	s14 =	sshll.u32 s0, $0xA;
	s2 =	sadd.s32 s3, s2  }
0x8d: {  	s2 =	sadd.s32 s2, s14  }
0x8e: {  	[smem:$0x3FC5] =	sst s2  }
0x8f: {  	_ = 	snop  }
0x90: {  	s2 =	sld [smem:$0x3FD0];
	_ =	sdelay $0x2  }
0x91: {  	s15 =	simm.s32 $0xA;
	s4 =	simm.s32 $0x10  }
0x92: {  	[smem:s4], [sflag:s15] =	dma.local [hbm:s2], $0x1  }
0x93: {  	_ =	swait.eq [sflag:s15], $0x1  }
0x94: {  	[sflag:s15] =	ssyncset.done $0x0  }
0x95: {  	[sflag:s15] =	ssyncadd.s32 $0xFFFFFFFF  }
0x96: {  	s16 =	sld [smem:$0x10];
	(tm) =	ssettm $0x1  }
0x97: {  	s17 =	sld [smem:$0x3FFB];
	_ =	sdelay $0x3  }
0x98: {  	_ =	strace s17  }
0x99: {  	s3 =	sld [smem:$0x3FFC];
	_ =	sdelay $0x3  }
0x9a: {  	_ =	strace s3  }
0x9b: {  	s3 =	sld [smem:$0x3FFD];
	_ =	sdelay $0x3  }
0x9c: {  	_ =	strace s3  }
0x9d: {  	_ =	strace $0x8FFFFFFF  }
0x9e: {  	s18 =	sld [smem:$0x3FDB];
	_ =	sdelay $0x1  }
0x9f: {  	s19 =	simm.s32 $_scs_section_size  }
0xa0: {  	s5 =	simm.s32 $_size__tile_overlayer_lowered;
	s6 =	simm.s32 $_tile_overlayer_lowered  }
0xa1: {  	s22 =	simm.s32 $0x1BFF;
	s21 =	sshll.u32 s6, $0x1;
	s3 =	sadd.s32 s19, s18  }
0xa2: {  	s7 =	simm.s32 $0x0;
	s20 =	sshll.u32 s5, $0x1;
	s5 =	sadd.s32 s21, s3  }
0xa3: {  	[timem:s7], [sflag:s22] =	dma.local [hbm:s5], s20  }
0xa4: {  	_ =	swait.ge [sflag:s22], s20  }
0xa5: {  	s4 =	ssub.s32 $0x0, s20;
	[sflag:s22] =	ssyncset.done $0x0  }
0xa6: {  	[sflag:s22] =	ssyncadd.s32 s4;
	_ =	sdelay $0x1  }
0xa7: {  	s23 =	simm.s32 $0x1B8B  }
0xa8: {  	_ =	swait.ge [sflag:s23], $0x1  }
0xa9: {  	[sflag:s23] =	ssyncset.done $0x0  }
0xaa: {  	s25 =	simm.s32 $0x1B8E;
	s24 =	sld [smem:$0x3FFE];
	[sflag:s23] =	ssyncadd.s32 $0xFFFFFFFF  }
0xab: {  	s26 =	simm.s32 $execute0_lowered;
	[smem:$0x3FD2] =	sst s25  }
0xac: {  	s5 =	sshll.u32 s26, $0x1;
	_ =	strace $0x80000046;
	[dreg:$0x1] =	wrdreg $0xFFFFFFFF  }
0xad: {  	s28 =	simm.s32 $_size_execute0_lowered;
	s3 =	sadd.s32 s3, s5;
	[dreg:$0x0] =	wrdreg $0x0  }
0xae: {  	s5 =	sshll.u32 s28, $0x1;
	[dreg:$0x2] =	wrdreg s3  }
0xaf: {  	[dreg:$0x3] =	wrdreg s5  }
0xb0: {  	[dreg:$0x4] =	wrdreg $0xC0  }
0xb1: {  	_ =	task [dreg:s7], $0x5FFFF  }
0xb2: {  	[dreg:$0x1] =	wrdreg $0xFFFFFFFF  }
0xb3: {  	[dreg:$0x0] =	wrdreg $0x60  }
0xb4: {  	[dreg:$0x2] =	wrdreg s16  }
0xb5: {  	[dreg:$0x3] =	wrdreg s24  }
0xb6: {  	[dreg:$0x4] =	wrdreg $0x9  }
0xb7: {  	_ =	task.clear_ibuf [dreg:s7], $0x5FFFF;
	_ =	strace $0x90000046  }
0xb8: {  	s29 =	simm.s32 $0x9;
	_ =	strace $0x80000048  }
0xb9: {  	_ =	swait.ge [sflag:s29], $0x1  }
0xba: {  	[sflag:s29] =	ssyncadd.s32 $0xFFFFFFFF  }
0xbb: {  	_ =	strace $0x90000048  }
0xbc: {  	_ =	sfence  }
0xbd: {  	s30 =	sld [smem:$0x0];
	_ =	sdelay $0x2  }
0xbe: {  	s31 =	sshll.u32 s1, $0xD;
	s1 =	sshrl.u32 s1, $0x2  }
0xbf: {  	s3 =	sand.u32 $0x4000, s31;
	s1 =	sadd.s32 s1, s30  }
0xc0: {  	s0 =	sor.u32 s3, s0;
	s1 =	sshll.u32 s1, $0x11  }
0xc1: {  	s0 =	sor.u32 s1, s0  }
0xc2: {  	s0 =	sadd.s32 $0x8F2B, s0  }
0xc3: {  	[sflag:s0] =	ssyncadd.remote.s32 $0x1  }
0xc4: {  	_ =	sfence.sel $0xFFFF  }
0xc5: {  	[dreg:$0x0] =	wrdreg $0xFFFFFFFF;
	(pc) =	sbr.abs _section_cstart, $3  }
0xc6: {  	[dreg:$0x1] =	wrdreg $0xFFFFFFFF  }
0xc7: {  	_ =	task.clear_ibuf [dreg:s7], $0x2FFFF;
	_ =	strace $0x9FFFFFFF  }
0xc8: {  	(tm) =	ssettm $0x7FFFFFFF  }
0xc9: {  	_ =	shalt  }
tec
execute0_lowered:
.L_overlay_start_1:
0x0: {  	(tag) =	ssettag $0x1  }
0x1: {  	s1 =	rddreg [dreg:$0x0];
	s0 =	srdreg.scid  }
0x2: {  	s6 =	rddreg [dreg:$0x1];
	s12 =	sand.u32 $0x1, s0  }
0x3: {  	s2 =	stileid.u32;
	s3 =	simm.s32 $0x0;
	s4 =	sshll.u32 s12, $0x6  }
0x4: {  	s0 =	rddreg [dreg:$0x2];
	s5 =	sshll.u32 s2, $0x7;
	s4 =	sadd.s32 s4, s6  }
0x5: {  	[smem:$0x7FF] =	sst s3;
	s4 =	sadd.s32 s5, s4  }
0x6: {  	_ =	strace $0x80000047;
	s5 =	simm.s32 $0x2;
	s4 =	sadd.s32 $0xC00, s4  }
0x7: {  	[tilespmem:s3], [sflag:$0x2] =	stream.linear.gather [hbm4b:s4+s3], $0x200, $0x38;
	[tilespmem:$0x4200] =	vst v63  }
0x8: {  	_ =	swait.ge [sflag:s5], $0x200  }
0x9: {  	[sflag:s5] =	ssyncset.done $0x0  }
0xa: {  	s7 =	simm.s32 $0x200;
	s6 =	sadd.s32 $0x1400, s6;
	[sflag:s5] =	ssyncadd.s32 $0xFFFFFE00  }
0xb: {  	[tilespmem:s7], [sflag:$0x2] =	stream.linear.gather [hbm4b:s6+s3], $0x4000, $0x38;
	[tilespmem:$0x4200] =	vst v63  }
0xc: {  	_ =	swait.ge [sflag:s5], $0x4000  }
0xd: {  	[sflag:s5] =	ssyncset.done $0x0  }
0xe: {  	s8 =	simm.s32 $0x80;
	[sflag:s5] =	ssyncadd.s32 $0xFFFFC000  }
0xf: {  	[hbm4b:s1+s8] =	stream.indirect.scatter [tilespmem:s7], [sflag:$0x1], $0x80, s3, s8, $0xb8;
	[tilespmem:$0x4200] =	vst v63  }
0x10: {  	_ = 	snop  }
0x11: {  	[hbm4b:s1+s8] =	stream.indirect.scatter [tilespmem:s7], [sflag:$0x1], $0x80, s8, s8, $0xb8;
	[tilespmem:$0x4200] =	vst v63  }
0x12: {  	s9 =	simm.s32 $0x100  }
0x13: {  	[hbm4b:s1+s8] =	stream.indirect.scatter [tilespmem:s7], [sflag:$0x1], $0x80, s9, s8, $0xb8;
	[tilespmem:$0x4200] =	vst v63  }
0x14: {  	s11 =	simm.s32 $0x180;
	s10 =	simm.s32 $0x1  }
0x15: {  	[hbm4b:s1+s8] =	stream.indirect.scatter [tilespmem:s7], [sflag:$0x1], $0x80, s11, s8, $0xb8;
	[tilespmem:$0x4200] =	vst v63  }
0x16: {  	_ =	swait.ge [sflag:s10], $0x4000  }
0x17: {  	s12 =	ssub.s32 $0x2, s12;
	[sflag:s10] =	ssyncset.done $0x0  }
0x18: {  	s13 =	sshrl.u32 s12, $0x1;
	[sflag:s10] =	ssyncadd.s32 $0xFFFFC000  }
0x19: {  	s12 =	ssub.s32 s12, s13;
	_ =	swait.ge [sflag:s10], $0x4000  }
0x1a: {  	s12 =	smax.u32 s12, $0x1;
	[sflag:s10] =	ssyncset.done $0x0  }
0x1b: {  	p0 =	sne.s32 s12, $0x1;
	[sflag:s10] =	ssyncadd.s32 $0xFFFFC000  }
.Ltmp0:
0x1c: {  	_ =	swait.ge [sflag:s10], $0x4000;
	(pc) =	sbr.rel @!p0 .LBB2_2-.Ltmp0, $4  }
0x1d: {  	[sflag:s10] =	ssyncset.done $0x0  }
0x1e: {  	[sflag:s10] =	ssyncadd.s32 $0xFFFFC000  }
0x1f: {  	_ =	swait.ge [sflag:s10], $0x4000  }
0x20: {  	s12 =	sadd.s32 $0xFFFFFFFF, s12;
	[sflag:s10] =	ssyncset.done $0x0  }
.LBB2_1:
0x21: {  	p0 =	sne.s32 s12, $0x1;
	s12 =	sadd.s32 $0xFFFFFFFF, s12;
	[sflag:s10] =	ssyncadd.s32 $0xFFFFC000  }
0x22: {  	[tilespmem:s3], [sflag:$0x2] =	stream.linear.gather [hbm4b:s4+s3], $0x200, $0x38;
	[tilespmem:$0x4200] =	vst v63  }
0x23: {  	_ =	swait.ge [sflag:s5], $0x200  }
0x24: {  	[sflag:s5] =	ssyncset.done $0x0  }
0x25: {  	[sflag:s5] =	ssyncadd.s32 $0xFFFFFE00  }
0x26: {  	[tilespmem:s7], [sflag:$0x2] =	stream.linear.gather [hbm4b:s6+s3], $0x4000, $0x38;
	[tilespmem:$0x4200] =	vst v63  }
0x27: {  	_ =	swait.ge [sflag:s5], $0x4000  }
0x28: {  	[sflag:s5] =	ssyncset.done $0x0  }
0x29: {  	[sflag:s5] =	ssyncadd.s32 $0xFFFFC000  }
0x2a: {  	[hbm4b:s1+s8] =	stream.indirect.scatter [tilespmem:s7], [sflag:$0x1], $0x80, s3, s8, $0xb8;
	[tilespmem:$0x4200] =	vst v63  }
0x2b: {  	_ = 	snop  }
0x2c: {  	[hbm4b:s1+s8] =	stream.indirect.scatter [tilespmem:s7], [sflag:$0x1], $0x80, s8, s8, $0xb8;
	[tilespmem:$0x4200] =	vst v63  }
0x2d: {  	_ = 	snop  }
0x2e: {  	[hbm4b:s1+s8] =	stream.indirect.scatter [tilespmem:s7], [sflag:$0x1], $0x80, s9, s8, $0xb8;
	[tilespmem:$0x4200] =	vst v63  }
0x2f: {  	_ = 	snop  }
0x30: {  	[hbm4b:s1+s8] =	stream.indirect.scatter [tilespmem:s7], [sflag:$0x1], $0x80, s11, s8, $0xb8;
	[tilespmem:$0x4200] =	vst v63  }
0x31: {  	_ =	swait.ge [sflag:s10], $0x4000  }
0x32: {  	[sflag:s10] =	ssyncset.done $0x0  }
0x33: {  	[sflag:s10] =	ssyncadd.s32 $0xFFFFC000  }
0x34: {  	_ =	swait.ge [sflag:s10], $0x4000  }
0x35: {  	[sflag:s10] =	ssyncset.done $0x0  }
0x36: {  	[sflag:s10] =	ssyncadd.s32 $0xFFFFC000  }
.Ltmp1:
0x37: {  	_ =	swait.ge [sflag:s10], $0x4000;
	(pc) =	sbr.rel @p0 .LBB2_1-.Ltmp1, $4  }
0x38: {  	[sflag:s10] =	ssyncset.done $0x0  }
0x39: {  	[sflag:s10] =	ssyncadd.s32 $0xFFFFC000  }
0x3a: {  	_ =	swait.ge [sflag:s10], $0x4000  }
0x3b: {  	[sflag:s10] =	ssyncset.done $0x0  }
.LBB2_2:
0x3c: {  	[sflag:s10] =	ssyncadd.s32 $0xFFFFC000  }
0x3d: {  	_ =	sfence.sel $0x180000  }
0x3e: {  	[bflag:$0x0] =	sbarrier.arrive $0xFFFF  }
0x3f: {  	p0 =	sne.s32 s2, $0x0;
	_ =	strace $0x90000047  }
0x40: {  	s0 =	sadd.s32 @!p0 $0x100000, s0;
	[bflag:$0x2] =	sbarrier.arrive $0xFFFF  }
0x41: {  	[sflag:s0] =	ssyncadd.tile.s32 @!p0 $0x1;
	_ =	shalt  }
.Lfunc_end2:
_tile_overlayer_lowered:
.L_overlay_start_2:
0x42: {  	(tag) =	ssettag $0x2  }
0x43: {  	s0 =	rddreg [dreg:$0x0];
	s2 =	stileid.u32  }
0x44: {  	s1 =	rddreg [dreg:$0x1];
	p0 =	sne.s32 s2, $0x0  }
0x45: {  	s3 =	rddreg [dreg:$0x2];
	[bflag:$0x3] =	sbarrier.arrive $0xFFFF;
	s2 =	simm.s32 @!p0 $0x1C02  }
0x46: {  	[timem:s3], [sflag:s2] =	dma.local @!p0 [hbm:s0], s1  }
0x47: {  	s0 =	simm.s32 @!p0 $0x2  }
0x48: {  	_ =	swait.ge @!p0 [sflag:s0], s1  }
0x49: {  	s1 =	ssub.s32 @!p0 $0x0, s1;
	[sflag:s0] =	ssyncset.done @!p0 $0x0  }
0x4a: {  	[sflag:s0] =	ssyncadd.s32 @!p0 s1  }
0x4b: {  	[bflag:$0x3] =	sbarrier.arrive $0xFFFF  }
0x4c: {  	_ =	shalt  }

</sc_bundles>
